<compile_context>
chip_gen: v7x
topology: tpu7x:2x2x1
jax: 0.10.2.dev20260603
libtpu: 0.0.44.dev20260713+nightly
codegen_flags: <defaults>
</compile_context>

<pallas_src>
import functools

import jax
import jax.numpy as jnp
from jax import lax
from jax.experimental import pallas as pl
from jax.experimental.pallas import tpu as pltpu
from jax.experimental.pallas import tpu_sc as plsc

_NC = 2
_NS = 16
_NW = _NC * _NS

_BATCH = 4
_SEQ = 8192
_D = 1024
_CHUNK = 16
_POS_PER_W = _SEQ // _NW
_N_CHUNKS = _POS_PER_W // _CHUNK


def _sc_body(x_hbm, t_hbm, out_hbm, t_buf, x_buf):
    wid = lax.axis_index("s") * _NC + lax.axis_index("c")
    base_pos = wid * _POS_PER_W

    def chunk_body(c, _):
        pos = base_pos + c * _CHUNK
        pltpu.sync_copy(t_hbm.at[pl.ds(pos, _CHUNK)], t_buf)
        for b in range(_BATCH):
            row = b * _SEQ + pos
            pltpu.sync_copy(x_hbm.at[pl.ds(row, _CHUNK)], x_buf)

            def add_body(i, _):
                def col_body(j, _):
                    sl = pl.ds(j * 16, 16)
                    x_buf[i, sl] = x_buf[i, sl] + t_buf[i, sl]
                    return 0
                return lax.fori_loop(0, _D // 16, col_body, 0)

            lax.fori_loop(0, _CHUNK, add_body, 0)
            pltpu.sync_copy(x_buf, out_hbm.at[pl.ds(row, _CHUNK)])
        return 0

    lax.fori_loop(0, _N_CHUNKS, chunk_body, 0)


def kernel(x, table):
    batch, seq_len, d_model = x.shape
    x2 = x.reshape(batch * seq_len, d_model)
    sc_kernel = functools.partial(
        pl.kernel,
        out_type=jax.ShapeDtypeStruct((batch * seq_len, d_model), x.dtype),
        mesh=plsc.VectorSubcoreMesh(core_axis_name="c", subcore_axis_name="s"),
        scratch_types=[
            pltpu.VMEM((_CHUNK, d_model), jnp.float32),
            pltpu.VMEM((_CHUNK, d_model), jnp.float32),
        ],
    )(_sc_body)
    out2 = sc_kernel(x2, table)
    return out2.reshape(batch, seq_len, d_model)

# --- scband reference (transcript-rebuilt; emitter-appended) ---
"""Pipeline reference for scband-learned-positional-embedding-73924977098763 (READ-ONLY COPY).

The authoritative reference and input builder live on the scoring server;
editing this copy changes nothing except your own understanding.
"""

import jax, jax.numpy as jnp
import numpy as np

MAX_LEN = 8192
D_MODEL = 1024

def setup_inputs(seed: int = 0) -> dict:
    key = jax.random.key(seed)
    k1, k2 = jax.random.split(key)
    x = jax.random.normal(k1, (4, 8192, 1024), dtype=jnp.float32)
    table = jax.random.normal(k2, (MAX_LEN, D_MODEL), dtype=jnp.float32) * 0.02
    return {"x": x, "table": table}

def reference(x, table):
    batch_size, seq_len, d_model = x.shape
    positions = jnp.arange(seq_len)[None, :]
    positions = jnp.broadcast_to(positions, (batch_size, seq_len))
    pos_embeddings = jnp.take(table, positions, axis=0)
    return x + pos_embeddings

if __name__ == "__main__":
    import jax
    _d = setup_inputs()
    print(jax.jit(kernel)(*tuple(_d.values())))

</pallas_src>

<mosaic_0001>
#map = affine_map<(d0, d1) -> (0, 0)>
module attributes {stable_mosaic.version = 14 : i64} {
  func.func @_sc_body(%arg0: i32, %arg1: i32, %arg2: memref<32768x1024xf32, #tpu.memory_space<hbm>>, %arg3: memref<8192x1024xf32, #tpu.memory_space<hbm>>, %arg4: memref<32768x1024xf32, #tpu.memory_space<hbm>>, %arg5: memref<16x1024xf32, #tpu.memory_space<vmem>>, %arg6: memref<16x1024xf32, #tpu.memory_space<vmem>>) attributes {dimension_semantics = [#tpu.dimension_semantics<core_parallel>, #tpu.dimension_semantics<subcore_parallel>], iteration_bounds = array<i64: 2, 16>, scalar_prefetch = 0 : i64, scratch_operands = 2 : i64, tpu.core_type = #tpu.core_type<sc_vector_subcore>, window_params = [{transform_indices = #map}, {transform_indices = #map}, {transform_indices = #map}]} {
    %mul3A = arith.constant 2 : i32
    %mul3A_0 = arith.muli %arg1, %mul3A : i32
    %add3A = arith.addi %mul3A_0, %arg0 : i32
    %mul3A_1 = arith.constant 256 : i32
    %mul3A_2 = arith.muli %add3A, %mul3A_1 : i32
    %scan3A = arith.constant 0 : i32
    %scan3A_3 = arith.constant 0 : i32
    %scan3A_4 = arith.constant 16 : i32
    %scan3A_5 = arith.addi %scan3A_3, %scan3A_4 : i32
    %scan3A_6 = arith.constant 1 : i32
    %scan3A_7 = scf.for %scan3A_9 = %scan3A_3 to %scan3A_5 step %scan3A_6 iter_args(%scan3A_10 = %scan3A) -> (i32)  : i32 {
      %mul3A_11 = arith.constant 16 : i32
      %mul3A_12 = arith.muli %scan3A_9, %mul3A_11 : i32
      %add3A_13 = arith.addi %mul3A_2, %mul3A_12 : i32
      "tpu.region"() ({
        %run_scoped3A = tpu.sem_alloc : memref<!tpu.dma_semaphore, #tpu.memory_space<semaphore_mem>>
        %dma_start3A = arith.constant 0 : i32
        %dma_start3A_51 = tpu.memref_slice %arg3[%add3A_13, %dma_start3A] : memref<8192x1024xf32, #tpu.memory_space<hbm>> -> memref<16x1024xf32, #tpu.memory_space<hbm>>
        %dma_start3A_52 = arith.constant 0 : i32
        %dma_start3A_53 = tpu.memref_slice %arg3[%add3A_13, %dma_start3A_52] : memref<8192x1024xf32, #tpu.memory_space<hbm>> -> memref<16x1024xf32, #tpu.memory_space<hbm>>
        tpu.enqueue_dma source(%dma_start3A_53 : memref<16x1024xf32, #tpu.memory_space<hbm>>) target(%arg5 : memref<16x1024xf32, #tpu.memory_space<vmem>>) target_semaphore(%run_scoped3A : memref<!tpu.dma_semaphore, #tpu.memory_space<semaphore_mem>>)
        %dma_wait3A = arith.constant 0 : i32
        %dma_wait3A_54 = tpu.memref_slice %arg3[%add3A_13, %dma_wait3A] : memref<8192x1024xf32, #tpu.memory_space<hbm>> -> memref<16x1024xf32, #tpu.memory_space<hbm>>
        %dma_wait3A_55 = arith.constant 0 : i32
        %dma_wait3A_56 = tpu.memref_slice %arg3[%add3A_13, %dma_wait3A_55] : memref<8192x1024xf32, #tpu.memory_space<hbm>> -> memref<16x1024xf32, #tpu.memory_space<hbm>>
        tpu.wait_dma2 semaphore(%run_scoped3A : memref<!tpu.dma_semaphore, #tpu.memory_space<semaphore_mem>>) src(%dma_wait3A_56 : memref<16x1024xf32, #tpu.memory_space<hbm>>) dst(%arg5 : memref<16x1024xf32, #tpu.memory_space<vmem>>)
        tpu.yield
      }) : () -> ()
      %add3A_14 = arith.constant 0 : i32
      %add3A_15 = arith.addi %add3A_14, %add3A_13 : i32
      "tpu.region"() ({
        %run_scoped3A = tpu.sem_alloc : memref<!tpu.dma_semaphore, #tpu.memory_space<semaphore_mem>>
        %dma_start3A = arith.constant 0 : i32
        %dma_start3A_51 = tpu.memref_slice %arg2[%add3A_15, %dma_start3A] : memref<32768x1024xf32, #tpu.memory_space<hbm>> -> memref<16x1024xf32, #tpu.memory_space<hbm>>
        %dma_start3A_52 = arith.constant 0 : i32
        %dma_start3A_53 = tpu.memref_slice %arg2[%add3A_15, %dma_start3A_52] : memref<32768x1024xf32, #tpu.memory_space<hbm>> -> memref<16x1024xf32, #tpu.memory_space<hbm>>
        tpu.enqueue_dma source(%dma_start3A_53 : memref<16x1024xf32, #tpu.memory_space<hbm>>) target(%arg6 : memref<16x1024xf32, #tpu.memory_space<vmem>>) target_semaphore(%run_scoped3A : memref<!tpu.dma_semaphore, #tpu.memory_space<semaphore_mem>>)
        %dma_wait3A = arith.constant 0 : i32
        %dma_wait3A_54 = tpu.memref_slice %arg2[%add3A_15, %dma_wait3A] : memref<32768x1024xf32, #tpu.memory_space<hbm>> -> memref<16x1024xf32, #tpu.memory_space<hbm>>
        %dma_wait3A_55 = arith.constant 0 : i32
        %dma_wait3A_56 = tpu.memref_slice %arg2[%add3A_15, %dma_wait3A_55] : memref<32768x1024xf32, #tpu.memory_space<hbm>> -> memref<16x1024xf32, #tpu.memory_space<hbm>>
        tpu.wait_dma2 semaphore(%run_scoped3A : memref<!tpu.dma_semaphore, #tpu.memory_space<semaphore_mem>>) src(%dma_wait3A_56 : memref<16x1024xf32, #tpu.memory_space<hbm>>) dst(%arg6 : memref<16x1024xf32, #tpu.memory_space<vmem>>)
        tpu.yield
      }) : () -> ()
      %scan3A_16 = arith.constant 0 : i32
      %scan3A_17 = arith.constant 0 : i32
      %scan3A_18 = arith.constant 16 : i32
      %scan3A_19 = arith.addi %scan3A_17, %scan3A_18 : i32
      %scan3A_20 = arith.constant 1 : i32
      %scan3A_21 = scf.for %scan3A_51 = %scan3A_17 to %scan3A_19 step %scan3A_20 iter_args(%scan3A_52 = %scan3A_16) -> (i32)  : i32 {
        %scan3A_53 = arith.constant 0 : i32
        %scan3A_54 = arith.constant 0 : i32
        %scan3A_55 = arith.constant 64 : i32
        %scan3A_56 = arith.addi %scan3A_54, %scan3A_55 : i32
        %scan3A_57 = arith.constant 1 : i32
        %scan3A_58 = scf.for %scan3A_60 = %scan3A_54 to %scan3A_56 step %scan3A_57 iter_args(%scan3A_61 = %scan3A_53) -> (i32)  : i32 {
          %mul3A_62 = arith.constant 16 : i32
          %mul3A_63 = arith.muli %scan3A_60, %mul3A_62 : i32
          %get3A = arith.index_cast %scan3A_51 : i32 to index
          %get3A_64 = arith.index_cast %mul3A_63 : i32 to index
          %get3A_65 = tpu.vector_load %arg6[%get3A, %get3A_64] {strides = array<i32>} : memref<16x1024xf32, #tpu.memory_space<vmem>>, vector<1x16xf32>,
          %get3A_66 = vector.shape_cast %get3A_65 : vector<1x16xf32> to vector<16xf32>
          %get3A_67 = arith.index_cast %scan3A_51 : i32 to index
          %get3A_68 = arith.index_cast %mul3A_63 : i32 to index
          %get3A_69 = tpu.vector_load %arg5[%get3A_67, %get3A_68] {strides = array<i32>} : memref<16x1024xf32, #tpu.memory_space<vmem>>, vector<1x16xf32>,
          %get3A_70 = vector.shape_cast %get3A_69 : vector<1x16xf32> to vector<16xf32>
          %add3A_71 = arith.addf %get3A_66, %get3A_70 : vector<16xf32>
          %swap3A = arith.index_cast %scan3A_51 : i32 to index
          %swap3A_72 = arith.index_cast %mul3A_63 : i32 to index
          %swap3A_73 = tpu.vector_load %arg6[%swap3A, %swap3A_72] {strides = array<i32>} : memref<16x1024xf32, #tpu.memory_space<vmem>>, vector<1x16xf32>,
          %swap3A_74 = vector.shape_cast %swap3A_73 : vector<1x16xf32> to vector<16xf32>
          %swap3A_75 = vector.shape_cast %add3A_71 : vector<16xf32> to vector<1x16xf32>
          tpu.vector_store %arg6[%swap3A, %swap3A_72], %swap3A_75 {strides = array<i32>} : memref<16x1024xf32, #tpu.memory_space<vmem>>, vector<1x16xf32>,
          %scan3A_76 = arith.constant 0 : i32
          scf.yield %scan3A_76 : i32
        }
        %scan3A_59 = arith.constant 64 : i32
        scf.yield %scan3A_58 : i32
      }
      %scan3A_22 = arith.constant 16 : i32
      "tpu.region"() ({
        %run_scoped3A = tpu.sem_alloc : memref<!tpu.dma_semaphore, #tpu.memory_space<semaphore_mem>>
        %dma_start3A = arith.constant 0 : i32
        %dma_start3A_51 = tpu.memref_slice %arg4[%add3A_15, %dma_start3A] : memref<32768x1024xf32, #tpu.memory_space<hbm>> -> memref<16x1024xf32, #tpu.memory_space<hbm>>
        %dma_start3A_52 = arith.constant 0 : i32
        %dma_start3A_53 = tpu.memref_slice %arg4[%add3A_15, %dma_start3A_52] : memref<32768x1024xf32, #tpu.memory_space<hbm>> -> memref<16x1024xf32, #tpu.memory_space<hbm>>
        tpu.enqueue_dma source(%arg6 : memref<16x1024xf32, #tpu.memory_space<vmem>>) target(%dma_start3A_53 : memref<16x1024xf32, #tpu.memory_space<hbm>>) target_semaphore(%run_scoped3A : memref<!tpu.dma_semaphore, #tpu.memory_space<semaphore_mem>>)
        %dma_wait3A = arith.constant 0 : i32
        %dma_wait3A_54 = tpu.memref_slice %arg4[%add3A_15, %dma_wait3A] : memref<32768x1024xf32, #tpu.memory_space<hbm>> -> memref<16x1024xf32, #tpu.memory_space<hbm>>
        %dma_wait3A_55 = arith.constant 0 : i32
        %dma_wait3A_56 = tpu.memref_slice %arg4[%add3A_15, %dma_wait3A_55] : memref<32768x1024xf32, #tpu.memory_space<hbm>> -> memref<16x1024xf32, #tpu.memory_space<hbm>>
        tpu.wait_dma2 semaphore(%run_scoped3A : memref<!tpu.dma_semaphore, #tpu.memory_space<semaphore_mem>>) src(%arg6 : memref<16x1024xf32, #tpu.memory_space<vmem>>) dst(%dma_wait3A_56 : memref<16x1024xf32, #tpu.memory_space<hbm>>)
        tpu.yield
      }) : () -> ()
      %add3A_23 = arith.constant 8192 : i32
      %add3A_24 = arith.addi %add3A_23, %add3A_13 : i32
      "tpu.region"() ({
        %run_scoped3A = tpu.sem_alloc : memref<!tpu.dma_semaphore, #tpu.memory_space<semaphore_mem>>
        %dma_start3A = arith.constant 0 : i32
        %dma_start3A_51 = tpu.memref_slice %arg2[%add3A_24, %dma_start3A] : memref<32768x1024xf32, #tpu.memory_space<hbm>> -> memref<16x1024xf32, #tpu.memory_space<hbm>>
        %dma_start3A_52 = arith.constant 0 : i32
        %dma_start3A_53 = tpu.memref_slice %arg2[%add3A_24, %dma_start3A_52] : memref<32768x1024xf32, #tpu.memory_space<hbm>> -> memref<16x1024xf32, #tpu.memory_space<hbm>>
        tpu.enqueue_dma source(%dma_start3A_53 : memref<16x1024xf32, #tpu.memory_space<hbm>>) target(%arg6 : memref<16x1024xf32, #tpu.memory_space<vmem>>) target_semaphore(%run_scoped3A : memref<!tpu.dma_semaphore, #tpu.memory_space<semaphore_mem>>)
        %dma_wait3A = arith.constant 0 : i32
        %dma_wait3A_54 = tpu.memref_slice %arg2[%add3A_24, %dma_wait3A] : memref<32768x1024xf32, #tpu.memory_space<hbm>> -> memref<16x1024xf32, #tpu.memory_space<hbm>>
        %dma_wait3A_55 = arith.constant 0 : i32
        %dma_wait3A_56 = tpu.memref_slice %arg2[%add3A_24, %dma_wait3A_55] : memref<32768x1024xf32, #tpu.memory_space<hbm>> -> memref<16x1024xf32, #tpu.memory_space<hbm>>
        tpu.wait_dma2 semaphore(%run_scoped3A : memref<!tpu.dma_semaphore, #tpu.memory_space<semaphore_mem>>) src(%dma_wait3A_56 : memref<16x1024xf32, #tpu.memory_space<hbm>>) dst(%arg6 : memref<16x1024xf32, #tpu.memory_space<vmem>>)
        tpu.yield
      }) : () -> ()
      %scan3A_25 = arith.constant 0 : i32
      %scan3A_26 = arith.constant 0 : i32
      %scan3A_27 = arith.constant 16 : i32
      %scan3A_28 = arith.addi %scan3A_26, %scan3A_27 : i32
      %scan3A_29 = arith.constant 1 : i32
      %scan3A_30 = scf.for %scan3A_51 = %scan3A_26 to %scan3A_28 step %scan3A_29 iter_args(%scan3A_52 = %scan3A_25) -> (i32)  : i32 {
        %scan3A_53 = arith.constant 0 : i32
        %scan3A_54 = arith.constant 0 : i32
        %scan3A_55 = arith.constant 64 : i32
        %scan3A_56 = arith.addi %scan3A_54, %scan3A_55 : i32
        %scan3A_57 = arith.constant 1 : i32
        %scan3A_58 = scf.for %scan3A_60 = %scan3A_54 to %scan3A_56 step %scan3A_57 iter_args(%scan3A_61 = %scan3A_53) -> (i32)  : i32 {
          %mul3A_62 = arith.constant 16 : i32
          %mul3A_63 = arith.muli %scan3A_60, %mul3A_62 : i32
          %get3A = arith.index_cast %scan3A_51 : i32 to index
          %get3A_64 = arith.index_cast %mul3A_63 : i32 to index
          %get3A_65 = tpu.vector_load %arg6[%get3A, %get3A_64] {strides = array<i32>} : memref<16x1024xf32, #tpu.memory_space<vmem>>, vector<1x16xf32>,
          %get3A_66 = vector.shape_cast %get3A_65 : vector<1x16xf32> to vector<16xf32>
          %get3A_67 = arith.index_cast %scan3A_51 : i32 to index
          %get3A_68 = arith.index_cast %mul3A_63 : i32 to index
          %get3A_69 = tpu.vector_load %arg5[%get3A_67, %get3A_68] {strides = array<i32>} : memref<16x1024xf32, #tpu.memory_space<vmem>>, vector<1x16xf32>,
          %get3A_70 = vector.shape_cast %get3A_69 : vector<1x16xf32> to vector<16xf32>
          %add3A_71 = arith.addf %get3A_66, %get3A_70 : vector<16xf32>
          %swap3A = arith.index_cast %scan3A_51 : i32 to index
          %swap3A_72 = arith.index_cast %mul3A_63 : i32 to index
          %swap3A_73 = tpu.vector_load %arg6[%swap3A, %swap3A_72] {strides = array<i32>} : memref<16x1024xf32, #tpu.memory_space<vmem>>, vector<1x16xf32>,
          %swap3A_74 = vector.shape_cast %swap3A_73 : vector<1x16xf32> to vector<16xf32>
          %swap3A_75 = vector.shape_cast %add3A_71 : vector<16xf32> to vector<1x16xf32>
          tpu.vector_store %arg6[%swap3A, %swap3A_72], %swap3A_75 {strides = array<i32>} : memref<16x1024xf32, #tpu.memory_space<vmem>>, vector<1x16xf32>,
          %scan3A_76 = arith.constant 0 : i32
          scf.yield %scan3A_76 : i32
        }
        %scan3A_59 = arith.constant 64 : i32
        scf.yield %scan3A_58 : i32
      }
      %scan3A_31 = arith.constant 16 : i32
      "tpu.region"() ({
        %run_scoped3A = tpu.sem_alloc : memref<!tpu.dma_semaphore, #tpu.memory_space<semaphore_mem>>
        %dma_start3A = arith.constant 0 : i32
        %dma_start3A_51 = tpu.memref_slice %arg4[%add3A_24, %dma_start3A] : memref<32768x1024xf32, #tpu.memory_space<hbm>> -> memref<16x1024xf32, #tpu.memory_space<hbm>>
        %dma_start3A_52 = arith.constant 0 : i32
        %dma_start3A_53 = tpu.memref_slice %arg4[%add3A_24, %dma_start3A_52] : memref<32768x1024xf32, #tpu.memory_space<hbm>> -> memref<16x1024xf32, #tpu.memory_space<hbm>>
        tpu.enqueue_dma source(%arg6 : memref<16x1024xf32, #tpu.memory_space<vmem>>) target(%dma_start3A_53 : memref<16x1024xf32, #tpu.memory_space<hbm>>) target_semaphore(%run_scoped3A : memref<!tpu.dma_semaphore, #tpu.memory_space<semaphore_mem>>)
        %dma_wait3A = arith.constant 0 : i32
        %dma_wait3A_54 = tpu.memref_slice %arg4[%add3A_24, %dma_wait3A] : memref<32768x1024xf32, #tpu.memory_space<hbm>> -> memref<16x1024xf32, #tpu.memory_space<hbm>>
        %dma_wait3A_55 = arith.constant 0 : i32
        %dma_wait3A_56 = tpu.memref_slice %arg4[%add3A_24, %dma_wait3A_55] : memref<32768x1024xf32, #tpu.memory_space<hbm>> -> memref<16x1024xf32, #tpu.memory_space<hbm>>
        tpu.wait_dma2 semaphore(%run_scoped3A : memref<!tpu.dma_semaphore, #tpu.memory_space<semaphore_mem>>) src(%arg6 : memref<16x1024xf32, #tpu.memory_space<vmem>>) dst(%dma_wait3A_56 : memref<16x1024xf32, #tpu.memory_space<hbm>>)
        tpu.yield
      }) : () -> ()
      %add3A_32 = arith.constant 16384 : i32
      %add3A_33 = arith.addi %add3A_32, %add3A_13 : i32
      "tpu.region"() ({
        %run_scoped3A = tpu.sem_alloc : memref<!tpu.dma_semaphore, #tpu.memory_space<semaphore_mem>>
        %dma_start3A = arith.constant 0 : i32
        %dma_start3A_51 = tpu.memref_slice %arg2[%add3A_33, %dma_start3A] : memref<32768x1024xf32, #tpu.memory_space<hbm>> -> memref<16x1024xf32, #tpu.memory_space<hbm>>
        %dma_start3A_52 = arith.constant 0 : i32
        %dma_start3A_53 = tpu.memref_slice %arg2[%add3A_33, %dma_start3A_52] : memref<32768x1024xf32, #tpu.memory_space<hbm>> -> memref<16x1024xf32, #tpu.memory_space<hbm>>
        tpu.enqueue_dma source(%dma_start3A_53 : memref<16x1024xf32, #tpu.memory_space<hbm>>) target(%arg6 : memref<16x1024xf32, #tpu.memory_space<vmem>>) target_semaphore(%run_scoped3A : memref<!tpu.dma_semaphore, #tpu.memory_space<semaphore_mem>>)
        %dma_wait3A = arith.constant 0 : i32
        %dma_wait3A_54 = tpu.memref_slice %arg2[%add3A_33, %dma_wait3A] : memref<32768x1024xf32, #tpu.memory_space<hbm>> -> memref<16x1024xf32, #tpu.memory_space<hbm>>
        %dma_wait3A_55 = arith.constant 0 : i32
        %dma_wait3A_56 = tpu.memref_slice %arg2[%add3A_33, %dma_wait3A_55] : memref<32768x1024xf32, #tpu.memory_space<hbm>> -> memref<16x1024xf32, #tpu.memory_space<hbm>>
        tpu.wait_dma2 semaphore(%run_scoped3A : memref<!tpu.dma_semaphore, #tpu.memory_space<semaphore_mem>>) src(%dma_wait3A_56 : memref<16x1024xf32, #tpu.memory_space<hbm>>) dst(%arg6 : memref<16x1024xf32, #tpu.memory_space<vmem>>)
        tpu.yield
      }) : () -> ()
      %scan3A_34 = arith.constant 0 : i32
      %scan3A_35 = arith.constant 0 : i32
      %scan3A_36 = arith.constant 16 : i32
      %scan3A_37 = arith.addi %scan3A_35, %scan3A_36 : i32
      %scan3A_38 = arith.constant 1 : i32
      %scan3A_39 = scf.for %scan3A_51 = %scan3A_35 to %scan3A_37 step %scan3A_38 iter_args(%scan3A_52 = %scan3A_34) -> (i32)  : i32 {
        %scan3A_53 = arith.constant 0 : i32
        %scan3A_54 = arith.constant 0 : i32
        %scan3A_55 = arith.constant 64 : i32
        %scan3A_56 = arith.addi %scan3A_54, %scan3A_55 : i32
        %scan3A_57 = arith.constant 1 : i32
        %scan3A_58 = scf.for %scan3A_60 = %scan3A_54 to %scan3A_56 step %scan3A_57 iter_args(%scan3A_61 = %scan3A_53) -> (i32)  : i32 {
          %mul3A_62 = arith.constant 16 : i32
          %mul3A_63 = arith.muli %scan3A_60, %mul3A_62 : i32
          %get3A = arith.index_cast %scan3A_51 : i32 to index
          %get3A_64 = arith.index_cast %mul3A_63 : i32 to index
          %get3A_65 = tpu.vector_load %arg6[%get3A, %get3A_64] {strides = array<i32>} : memref<16x1024xf32, #tpu.memory_space<vmem>>, vector<1x16xf32>,
          %get3A_66 = vector.shape_cast %get3A_65 : vector<1x16xf32> to vector<16xf32>
          %get3A_67 = arith.index_cast %scan3A_51 : i32 to index
          %get3A_68 = arith.index_cast %mul3A_63 : i32 to index
          %get3A_69 = tpu.vector_load %arg5[%get3A_67, %get3A_68] {strides = array<i32>} : memref<16x1024xf32, #tpu.memory_space<vmem>>, vector<1x16xf32>,
          %get3A_70 = vector.shape_cast %get3A_69 : vector<1x16xf32> to vector<16xf32>
          %add3A_71 = arith.addf %get3A_66, %get3A_70 : vector<16xf32>
          %swap3A = arith.index_cast %scan3A_51 : i32 to index
          %swap3A_72 = arith.index_cast %mul3A_63 : i32 to index
          %swap3A_73 = tpu.vector_load %arg6[%swap3A, %swap3A_72] {strides = array<i32>} : memref<16x1024xf32, #tpu.memory_space<vmem>>, vector<1x16xf32>,
          %swap3A_74 = vector.shape_cast %swap3A_73 : vector<1x16xf32> to vector<16xf32>
          %swap3A_75 = vector.shape_cast %add3A_71 : vector<16xf32> to vector<1x16xf32>
          tpu.vector_store %arg6[%swap3A, %swap3A_72], %swap3A_75 {strides = array<i32>} : memref<16x1024xf32, #tpu.memory_space<vmem>>, vector<1x16xf32>,
          %scan3A_76 = arith.constant 0 : i32
          scf.yield %scan3A_76 : i32
        }
        %scan3A_59 = arith.constant 64 : i32
        scf.yield %scan3A_58 : i32
      }
      %scan3A_40 = arith.constant 16 : i32
      "tpu.region"() ({
        %run_scoped3A = tpu.sem_alloc : memref<!tpu.dma_semaphore, #tpu.memory_space<semaphore_mem>>
        %dma_start3A = arith.constant 0 : i32
        %dma_start3A_51 = tpu.memref_slice %arg4[%add3A_33, %dma_start3A] : memref<32768x1024xf32, #tpu.memory_space<hbm>> -> memref<16x1024xf32, #tpu.memory_space<hbm>>
        %dma_start3A_52 = arith.constant 0 : i32
        %dma_start3A_53 = tpu.memref_slice %arg4[%add3A_33, %dma_start3A_52] : memref<32768x1024xf32, #tpu.memory_space<hbm>> -> memref<16x1024xf32, #tpu.memory_space<hbm>>
        tpu.enqueue_dma source(%arg6 : memref<16x1024xf32, #tpu.memory_space<vmem>>) target(%dma_start3A_53 : memref<16x1024xf32, #tpu.memory_space<hbm>>) target_semaphore(%run_scoped3A : memref<!tpu.dma_semaphore, #tpu.memory_space<semaphore_mem>>)
        %dma_wait3A = arith.constant 0 : i32
        %dma_wait3A_54 = tpu.memref_slice %arg4[%add3A_33, %dma_wait3A] : memref<32768x1024xf32, #tpu.memory_space<hbm>> -> memref<16x1024xf32, #tpu.memory_space<hbm>>
        %dma_wait3A_55 = arith.constant 0 : i32
        %dma_wait3A_56 = tpu.memref_slice %arg4[%add3A_33, %dma_wait3A_55] : memref<32768x1024xf32, #tpu.memory_space<hbm>> -> memref<16x1024xf32, #tpu.memory_space<hbm>>
        tpu.wait_dma2 semaphore(%run_scoped3A : memref<!tpu.dma_semaphore, #tpu.memory_space<semaphore_mem>>) src(%arg6 : memref<16x1024xf32, #tpu.memory_space<vmem>>) dst(%dma_wait3A_56 : memref<16x1024xf32, #tpu.memory_space<hbm>>)
        tpu.yield
      }) : () -> ()
      %add3A_41 = arith.constant 24576 : i32
      %add3A_42 = arith.addi %add3A_41, %add3A_13 : i32
      "tpu.region"() ({
        %run_scoped3A = tpu.sem_alloc : memref<!tpu.dma_semaphore, #tpu.memory_space<semaphore_mem>>
        %dma_start3A = arith.constant 0 : i32
        %dma_start3A_51 = tpu.memref_slice %arg2[%add3A_42, %dma_start3A] : memref<32768x1024xf32, #tpu.memory_space<hbm>> -> memref<16x1024xf32, #tpu.memory_space<hbm>>
        %dma_start3A_52 = arith.constant 0 : i32
        %dma_start3A_53 = tpu.memref_slice %arg2[%add3A_42, %dma_start3A_52] : memref<32768x1024xf32, #tpu.memory_space<hbm>> -> memref<16x1024xf32, #tpu.memory_space<hbm>>
        tpu.enqueue_dma source(%dma_start3A_53 : memref<16x1024xf32, #tpu.memory_space<hbm>>) target(%arg6 : memref<16x1024xf32, #tpu.memory_space<vmem>>) target_semaphore(%run_scoped3A : memref<!tpu.dma_semaphore, #tpu.memory_space<semaphore_mem>>)
        %dma_wait3A = arith.constant 0 : i32
        %dma_wait3A_54 = tpu.memref_slice %arg2[%add3A_42, %dma_wait3A] : memref<32768x1024xf32, #tpu.memory_space<hbm>> -> memref<16x1024xf32, #tpu.memory_space<hbm>>
        %dma_wait3A_55 = arith.constant 0 : i32
        %dma_wait3A_56 = tpu.memref_slice %arg2[%add3A_42, %dma_wait3A_55] : memref<32768x1024xf32, #tpu.memory_space<hbm>> -> memref<16x1024xf32, #tpu.memory_space<hbm>>
        tpu.wait_dma2 semaphore(%run_scoped3A : memref<!tpu.dma_semaphore, #tpu.memory_space<semaphore_mem>>) src(%dma_wait3A_56 : memref<16x1024xf32, #tpu.memory_space<hbm>>) dst(%arg6 : memref<16x1024xf32, #tpu.memory_space<vmem>>)
        tpu.yield
      }) : () -> ()
      %scan3A_43 = arith.constant 0 : i32
      %scan3A_44 = arith.constant 0 : i32
      %scan3A_45 = arith.constant 16 : i32
      %scan3A_46 = arith.addi %scan3A_44, %scan3A_45 : i32
      %scan3A_47 = arith.constant 1 : i32
      %scan3A_48 = scf.for %scan3A_51 = %scan3A_44 to %scan3A_46 step %scan3A_47 iter_args(%scan3A_52 = %scan3A_43) -> (i32)  : i32 {
        %scan3A_53 = arith.constant 0 : i32
        %scan3A_54 = arith.constant 0 : i32
        %scan3A_55 = arith.constant 64 : i32
        %scan3A_56 = arith.addi %scan3A_54, %scan3A_55 : i32
        %scan3A_57 = arith.constant 1 : i32
        %scan3A_58 = scf.for %scan3A_60 = %scan3A_54 to %scan3A_56 step %scan3A_57 iter_args(%scan3A_61 = %scan3A_53) -> (i32)  : i32 {
          %mul3A_62 = arith.constant 16 : i32
          %mul3A_63 = arith.muli %scan3A_60, %mul3A_62 : i32
          %get3A = arith.index_cast %scan3A_51 : i32 to index
          %get3A_64 = arith.index_cast %mul3A_63 : i32 to index
          %get3A_65 = tpu.vector_load %arg6[%get3A, %get3A_64] {strides = array<i32>} : memref<16x1024xf32, #tpu.memory_space<vmem>>, vector<1x16xf32>,
          %get3A_66 = vector.shape_cast %get3A_65 : vector<1x16xf32> to vector<16xf32>
          %get3A_67 = arith.index_cast %scan3A_51 : i32 to index
          %get3A_68 = arith.index_cast %mul3A_63 : i32 to index
          %get3A_69 = tpu.vector_load %arg5[%get3A_67, %get3A_68] {strides = array<i32>} : memref<16x1024xf32, #tpu.memory_space<vmem>>, vector<1x16xf32>,
          %get3A_70 = vector.shape_cast %get3A_69 : vector<1x16xf32> to vector<16xf32>
          %add3A_71 = arith.addf %get3A_66, %get3A_70 : vector<16xf32>
          %swap3A = arith.index_cast %scan3A_51 : i32 to index
          %swap3A_72 = arith.index_cast %mul3A_63 : i32 to index
          %swap3A_73 = tpu.vector_load %arg6[%swap3A, %swap3A_72] {strides = array<i32>} : memref<16x1024xf32, #tpu.memory_space<vmem>>, vector<1x16xf32>,
          %swap3A_74 = vector.shape_cast %swap3A_73 : vector<1x16xf32> to vector<16xf32>
          %swap3A_75 = vector.shape_cast %add3A_71 : vector<16xf32> to vector<1x16xf32>
          tpu.vector_store %arg6[%swap3A, %swap3A_72], %swap3A_75 {strides = array<i32>} : memref<16x1024xf32, #tpu.memory_space<vmem>>, vector<1x16xf32>,
          %scan3A_76 = arith.constant 0 : i32
          scf.yield %scan3A_76 : i32
        }
        %scan3A_59 = arith.constant 64 : i32
        scf.yield %scan3A_58 : i32
      }
      %scan3A_49 = arith.constant 16 : i32
      "tpu.region"() ({
        %run_scoped3A = tpu.sem_alloc : memref<!tpu.dma_semaphore, #tpu.memory_space<semaphore_mem>>
        %dma_start3A = arith.constant 0 : i32
        %dma_start3A_51 = tpu.memref_slice %arg4[%add3A_42, %dma_start3A] : memref<32768x1024xf32, #tpu.memory_space<hbm>> -> memref<16x1024xf32, #tpu.memory_space<hbm>>
        %dma_start3A_52 = arith.constant 0 : i32
        %dma_start3A_53 = tpu.memref_slice %arg4[%add3A_42, %dma_start3A_52] : memref<32768x1024xf32, #tpu.memory_space<hbm>> -> memref<16x1024xf32, #tpu.memory_space<hbm>>
        tpu.enqueue_dma source(%arg6 : memref<16x1024xf32, #tpu.memory_space<vmem>>) target(%dma_start3A_53 : memref<16x1024xf32, #tpu.memory_space<hbm>>) target_semaphore(%run_scoped3A : memref<!tpu.dma_semaphore, #tpu.memory_space<semaphore_mem>>)
        %dma_wait3A = arith.constant 0 : i32
        %dma_wait3A_54 = tpu.memref_slice %arg4[%add3A_42, %dma_wait3A] : memref<32768x1024xf32, #tpu.memory_space<hbm>> -> memref<16x1024xf32, #tpu.memory_space<hbm>>
        %dma_wait3A_55 = arith.constant 0 : i32
        %dma_wait3A_56 = tpu.memref_slice %arg4[%add3A_42, %dma_wait3A_55] : memref<32768x1024xf32, #tpu.memory_space<hbm>> -> memref<16x1024xf32, #tpu.memory_space<hbm>>
        tpu.wait_dma2 semaphore(%run_scoped3A : memref<!tpu.dma_semaphore, #tpu.memory_space<semaphore_mem>>) src(%arg6 : memref<16x1024xf32, #tpu.memory_space<vmem>>) dst(%dma_wait3A_56 : memref<16x1024xf32, #tpu.memory_space<hbm>>)
        tpu.yield
      }) : () -> ()
      %scan3A_50 = arith.constant 0 : i32
      scf.yield %scan3A_50 : i32
    }
    %scan3A_8 = arith.constant 16 : i32
    return
  }
}

</mosaic_0001>

<sc_bundles>
// kernel: kernel.3.cloned.1.call-start
scs
__scs_entry_jumppad:
0x0: {  	(pc) =	sbr.rel $0x88, $3  }
0x1: {  	(tag) =	ssettag $0x0;
	lr =	simm.s32 $0x1  }
0x2: {  	[smem:$0x3F9F] =	sst lr;
	_ =	strace $0xD0000000  }
0x3: {  	_ = 	snop  }
0x4: {  	_ = 	snop  }
0x5: {  	_ = 	snop  }
0x6: {  	_ = 	snop  }
0x7: {  	_ = 	snop  }
__scs_overlays_trampoline_lowered:
0x8: {  	[smem:$0x3FAE] =	sst s0  }
0x9: {  	[smem:$0x3FAF] =	sst s1  }
0xa: {  	[smem:$0x3FB0] =	sst s2  }
0xb: {  	[smem:$0x3FB1] =	sst s3  }
0xc: {  	[smem:$0x3FB2] =	sst s4  }
0xd: {  	[smem:$0x3FB3] =	sst s5  }
0xe: {  	[smem:$0x3FB4] =	sst s6  }
0xf: {  	[smem:$0x3FB5] =	sst s7  }
0x10: {  	[smem:$0x3FB6] =	sst s8  }
0x11: {  	[smem:$0x3FB7] =	sst s9;
	s0 =	simm.s32 @!p0 $0x0  }
0x12: {  	s1 =	sld [smem:$0x3F9D];
	s0 =	simm.s32 @p0 $0x1  }
0x13: {  	[smem:$0x3FB8] =	sst s0;
	s0 =	simm.s32 @!p1 $0x0  }
0x14: {  	s2 =	sld [smem:$0x3F9C];
	s0 =	simm.s32 @p1 $0x1  }
0x15: {  	[smem:$0x3FB9] =	sst s0;
	s0 =	simm.s32 @!p2 $0x0  }
0x16: {  	s3 =	sld [smem:$0x3FDB];
	s0 =	simm.s32 @p2 $0x1  }
0x17: {  	s4 =	simm.s32 $0x1BF5;
	[smem:$0x3FBB] =	sst s0  }
0x18: {  	s0 =	sld [smem:$0x3F9E];
	_ =	swait.ge [sflag:s4], $0x0  }
0x19: {  	s7 =	sld [smem:$0x3F9F]  }
0x1a: {  	s8 =	sadd.s32 $0xFFFFE003, lr  }
0x1b: {  	s9 =	sadd.s32 $0xFFFFFEF7, lr;
	s5 =	simm.s32 $0xFFFFFFFF;
	p2 =	slt.u32 s8, $0xFFFFF086  }
0x1c: {  	p1 =	slt.u32 s9, $0xF7A;
	s5 =	simm.s32 @!p2 $0x0  }
0x1d: {  	s5 =	simm.s32 @p1 $0x1;
	p0 =	seq.s32 s7, s2  }
0x1e: {  	s7 =	smul.u32 @!p0 $0xF7A, s2;
	p2 =	seq.s32 @!p0 s5, $0x0  }
0x1f: {  	s9 =	smul.u32 $0xF7A, s1;
	s8 =	simm.s32 @!p0 $0x1BF5;
	p2 =	por !p2, p0  }
0x20: {  	[sflag:s8] =	ssyncset.s32 @!p0 $0xFFFFF086;
	s6 =	sadd.s32 @!p0 s3, s7;
	s7 =	simm.s32 @!p0 $0x108  }
0x21: {  	s3 =	sadd.s32 s3, s9;
	s6 =	sadd.s32 @!p0 $0x88, s6;
	s7 =	simm.s32 @p2 $0x1082  }
0x22: {  	[simem:s7], [sflag:s8] =	dma.local @!p0 [hbm:s6], $0xF7A  }
0x23: {  	s9 =	sor.u32 $0xD0000000, s2;
	s6 =	simm.s32 $0x108;
	_ =	swait.ge @!p0 [sflag:s8], $0x0  }
0x24: {  	s3 =	sadd.s32 $0x88, s3;
	s6 =	simm.s32 @!p1 $0x1082;
	[sflag:s4] =	ssyncset.s32 $0xFFFFF086  }
0x25: {  	[simem:s6], [sflag:s4] =	dma.local [hbm:s3], $0xF7A  }
0x26: {  	[smem:$0x3F9F] =	sst s1;
	(tag) =	ssettag s2;
	_ =	strace s9  }
0x27: {  	s1 =	sld [smem:$0x3FAF]  }
0x28: {  	s2 =	sld [smem:$0x3FB0]  }
0x29: {  	s4 =	sld [smem:$0x3FB2]  }
0x2a: {  	p0 =	seq.s32 s5, $0x0;
	s5 =	sld [smem:$0x3FB3]  }
0x2b: {  	s6 =	sld [smem:$0x3FB4]  }
0x2c: {  	s7 =	sld [smem:$0x3FB5]  }
0x2d: {  	s3 =	simm.s32 $0x108;
	s8 =	sld [smem:$0x3FB6]  }
0x2e: {  	s3 =	simm.s32 @!p0 $0x1082;
	s9 =	sld [smem:$0x3FB7]  }
0x2f: {  	lr =	sadd.s32 s0, s3;
	s0 =	sld [smem:$0x3FAE]  }
0x30: {  	s3 =	sld [smem:$0x3FB1]  }
0x31: {  	[smem:$0x3FBA] =	sst s10  }
0x32: {  	s10 =	sld [smem:$0x3FB8];
	_ =	sdelay $0x3  }
0x33: {  	p0 =	seq.s32 s10, $0x1;
	s10 =	sld [smem:$0x3FBA];
	_ =	sdelay $0x3  }
0x34: {  	[smem:$0x3FBA] =	sst s10  }
0x35: {  	s10 =	sld [smem:$0x3FB9];
	_ =	sdelay $0x3  }
0x36: {  	p1 =	seq.s32 s10, $0x1;
	s10 =	sld [smem:$0x3FBA];
	_ =	sdelay $0x3  }
0x37: {  	[smem:$0x3FBA] =	sst s10  }
0x38: {  	s10 =	sld [smem:$0x3FBB]  }
0x39: {  	_ = 	snop;
	(pc) =	sbr.ind lr, $3  }
0x3a: {  	_ = 	snop  }
0x3b: {  	_ = 	snop  }
0x3c: {  	p2 =	seq.s32 s10, $0x1;
	s10 =	sld [smem:$0x3FBA]  }
0x3d: {  	_ =	shalt  }
0x3e: {  	_ =	shalt  }
0x3f: {  	_ =	shalt  }
0x40: {  	_ =	shalt  }
0x41: {  	_ =	shalt  }
0x42: {  	_ =	shalt  }
0x43: {  	_ =	shalt  }
0x44: {  	_ =	shalt  }
0x45: {  	_ =	shalt  }
0x46: {  	_ =	shalt  }
0x47: {  	_ =	shalt  }
0x48: {  	_ =	shalt  }
0x49: {  	_ =	shalt  }
0x4a: {  	_ =	shalt  }
0x4b: {  	_ =	shalt  }
0x4c: {  	_ =	shalt  }
0x4d: {  	_ =	shalt  }
0x4e: {  	_ =	shalt  }
0x4f: {  	_ =	shalt  }
0x50: {  	_ =	shalt  }
0x51: {  	_ =	shalt  }
0x52: {  	_ =	shalt  }
0x53: {  	_ =	shalt  }
0x54: {  	_ =	shalt  }
0x55: {  	_ =	shalt  }
0x56: {  	_ =	shalt  }
0x57: {  	_ =	shalt  }
0x58: {  	_ =	shalt  }
0x59: {  	_ =	shalt  }
0x5a: {  	_ =	shalt  }
0x5b: {  	_ =	shalt  }
0x5c: {  	_ =	shalt  }
0x5d: {  	_ =	shalt  }
0x5e: {  	_ =	shalt  }
0x5f: {  	_ =	shalt  }
0x60: {  	_ =	shalt  }
0x61: {  	_ =	shalt  }
0x62: {  	_ =	shalt  }
0x63: {  	_ =	shalt  }
0x64: {  	_ =	shalt  }
0x65: {  	_ =	shalt  }
0x66: {  	_ =	shalt  }
0x67: {  	_ =	shalt  }
0x68: {  	_ =	shalt  }
0x69: {  	_ =	shalt  }
0x6a: {  	_ =	shalt  }
0x6b: {  	_ =	shalt  }
0x6c: {  	_ =	shalt  }
0x6d: {  	_ =	shalt  }
0x6e: {  	_ =	shalt  }
0x6f: {  	_ =	shalt  }
0x70: {  	_ =	shalt  }
0x71: {  	_ =	shalt  }
0x72: {  	_ =	shalt  }
0x73: {  	_ =	shalt  }
0x74: {  	_ =	shalt  }
0x75: {  	_ =	shalt  }
0x76: {  	_ =	shalt  }
0x77: {  	_ =	shalt  }
0x78: {  	_ =	shalt  }
0x79: {  	_ =	shalt  }
0x7a: {  	_ =	shalt  }
0x7b: {  	_ =	shalt  }
0x7c: {  	_ =	shalt  }
0x7d: {  	_ =	shalt  }
0x7e: {  	_ =	shalt  }
0x7f: {  	_ =	shalt  }
0x80: {  	_ =	shalt  }
0x81: {  	_ =	shalt  }
0x82: {  	_ =	shalt  }
0x83: {  	_ =	shalt  }
0x84: {  	_ =	shalt  }
0x85: {  	_ =	shalt  }
0x86: {  	_ =	shalt  }
0x87: {  	_ =	shalt  }
.Lfunc_end0:
.L_simem_size_0:
called_computation_lowered:
.L_overlay_start_0:
0x88: {  	s2 =	sld [smem:$0x3FD9]  }
0x89: {  	s3 =	sld [smem:$0x3FFE];
	_ =	sdelay $0x1  }
0x8a: {  	s1 =	srdreg.scid  }
0x8b: {  	s0 =	sand.u32 $0x1, s1  }
0x8c: {  	s18 =	sshll.u32 s0, $0xA;
	s2 =	sadd.s32 s3, s2  }
0x8d: {  	s2 =	sadd.s32 s2, s18  }
0x8e: {  	[smem:$0x3FC6] =	sst s2  }
0x8f: {  	_ = 	snop  }
0x90: {  	s2 =	sld [smem:$0x3FC9]  }
0x91: {  	s19 =	sld [smem:$0x3FC8]  }
0x92: {  	s4 =	sld [smem:$0x3FD0];
	(tm) =	ssettm $0x1  }
0x93: {  	s5 =	sld [smem:$0x3FFB];
	_ =	sdelay $0x3  }
0x94: {  	_ =	strace s5  }
0x95: {  	s5 =	sld [smem:$0x3FFC];
	_ =	sdelay $0x3  }
0x96: {  	_ =	strace s5  }
0x97: {  	s5 =	sld [smem:$0x3FFD];
	_ =	sdelay $0x3  }
0x98: {  	_ =	strace s5  }
0x99: {  	_ =	strace $0x8FFFFFFF  }
0x9a: {  	s20 =	sld [smem:$0x3FDB];
	_ =	sdelay $0x1  }
0x9b: {  	s6 =	simm.s32 $_scs_section_size  }
0x9c: {  	s7 =	simm.s32 $_size__tile_overlayer_lowered;
	s8 =	simm.s32 $_tile_overlayer_lowered  }
0x9d: {  	s23 =	simm.s32 $0x1BFF;
	s22 =	sshll.u32 s8, $0x1;
	s5 =	sadd.s32 s6, s20  }
0x9e: {  	s9 =	simm.s32 $0x0;
	s21 =	sshll.u32 s7, $0x1;
	s7 =	sadd.s32 s22, s5  }
0x9f: {  	[timem:s9], [sflag:s23] =	dma.local [hbm:s7], s21  }
0xa0: {  	_ =	swait.ge [sflag:s23], s21  }
0xa1: {  	s6 =	ssub.s32 $0x0, s21;
	[sflag:s23] =	ssyncset.done $0x0  }
0xa2: {  	[sflag:s23] =	ssyncadd.s32 s6;
	_ =	sdelay $0x1  }
0xa3: {  	s24 =	simm.s32 $0x1B8B  }
0xa4: {  	_ =	swait.ge [sflag:s24], $0x1  }
0xa5: {  	[sflag:s24] =	ssyncset.done $0x0  }
0xa6: {  	s25 =	simm.s32 $0x1B8E;
	[sflag:s24] =	ssyncadd.s32 $0xFFFFFFFF  }
0xa7: {  	s26 =	simm.s32 $execute0_lowered;
	[smem:$0x3FD2] =	sst s25  }
0xa8: {  	s6 =	sshll.u32 s26, $0x1;
	_ =	strace $0x80000046;
	[dreg:$0x1] =	wrdreg $0xFFFFFFFF  }
0xa9: {  	s28 =	simm.s32 $_size_execute0_lowered;
	s5 =	sadd.s32 s5, s6;
	[dreg:$0x0] =	wrdreg $0x0  }
0xaa: {  	s6 =	sshll.u32 s28, $0x1;
	[dreg:$0x2] =	wrdreg s5  }
0xab: {  	[dreg:$0x3] =	wrdreg s6  }
0xac: {  	[dreg:$0x4] =	wrdreg $0xC0  }
0xad: {  	_ =	task [dreg:s9], $0x5FFFF  }
0xae: {  	[dreg:$0x1] =	wrdreg $0xFFFFFFFF  }
0xaf: {  	[dreg:$0x0] =	wrdreg $0x60  }
0xb0: {  	[dreg:$0x2] =	wrdreg s2  }
0xb1: {  	[dreg:$0x3] =	wrdreg s19  }
0xb2: {  	[dreg:$0x4] =	wrdreg s4  }
0xb3: {  	[dreg:$0x5] =	wrdreg $0x9  }
0xb4: {  	_ =	task.clear_ibuf [dreg:s9], $0x6FFFF;
	_ =	strace $0x90000046  }
0xb5: {  	s29 =	simm.s32 $0x9;
	_ =	strace $0x80000048  }
0xb6: {  	_ =	swait.ge [sflag:s29], $0x1  }
0xb7: {  	[sflag:s29] =	ssyncadd.s32 $0xFFFFFFFF  }
0xb8: {  	_ =	strace $0x90000048  }
0xb9: {  	_ =	sfence  }
0xba: {  	s30 =	sld [smem:$0x0];
	_ =	sdelay $0x2  }
0xbb: {  	s31 =	sshll.u32 s1, $0xD;
	s1 =	sshrl.u32 s1, $0x2  }
0xbc: {  	s3 =	sand.u32 $0x4000, s31;
	s1 =	sadd.s32 s1, s30  }
0xbd: {  	s0 =	sor.u32 s3, s0;
	s1 =	sshll.u32 s1, $0x11  }
0xbe: {  	s0 =	sor.u32 s1, s0  }
0xbf: {  	s0 =	sadd.s32 $0x8F2B, s0  }
0xc0: {  	[sflag:s0] =	ssyncadd.remote.s32 $0x1  }
0xc1: {  	_ =	sfence.sel $0xFFFF  }
0xc2: {  	[dreg:$0x0] =	wrdreg $0xFFFFFFFF;
	(pc) =	sbr.abs _section_cstart, $3  }
0xc3: {  	[dreg:$0x1] =	wrdreg $0xFFFFFFFF  }
0xc4: {  	_ =	task.clear_ibuf [dreg:s9], $0x2FFFF;
	_ =	strace $0x9FFFFFFF  }
0xc5: {  	(tm) =	ssettm $0x7FFFFFFF  }
tec
execute0_lowered:
.L_overlay_start_1:
0x0: {  	(tag) =	ssettag $0x1  }
0x1: {  	s1 =	rddreg [dreg:$0x0]  }
0x2: {  	s2 =	rddreg [dreg:$0x1]  }
0x3: {  	s0 =	srdreg.scid;
	s3 =	rddreg [dreg:$0x2];
	s5 =	simm.s32 $0x0  }
0x4: {  	s4 =	stileid.u32;
	s9 =	simm.s32 $0x4000;
	s6 =	sand.u32 $0x1, s0  }
0x5: {  	s10 =	simm.s32 $0x0;
	s0 =	rddreg [dreg:$0x3];
	s7 =	ssub.s32 $0x2, s6  }
0x6: {  	[smem:$0x7FF] =	sst s5;
	s31 =	sshll.u32 s4, $0x10;
	s8 =	sshrl.u32 s7, $0x1  }
0x7: {  	s6 =	sshll.u32 s6, $0xF;
	_ =	strace $0x80000047;
	s7 =	ssub.s32 s7, s8  }
0x8: {  	s6 =	sor.u32 s6, s31;
	s8 =	simm.s32 $0x1;
	s7 =	smax.u32 s7, $0x1  }
.LBB2_1:
0x9: {  	s11 =	simm.s32 $0x0  }
.LBB2_2:
0xa: {  	s12 =	sshll.u32 s11, $0xB  }
0xb: {  	s12 =	sadd.s32 s6, s12  }
0xc: {  	s13 =	simm.s32 $0x0;
	s14 =	sadd.s32 s2, s12  }
0xd: {  	[tilespmem:s13], [sflag:$0x1] =	stream.linear.gather [hbm4b:s14+s13], $0x4000, $0x38;
	[tilespmem:$0x8000] =	vst v63  }
0xe: {  	_ =	swait.ge [sflag:s8], $0x4000  }
0xf: {  	[sflag:s8] =	ssyncset.done $0x0  }
0x10: {  	s31 =	sadd.s32 s1, s12;
	[sflag:s8] =	ssyncadd.s32 $0xFFFFC000  }
0x11: {  	[tilespmem:s9], [sflag:$0x1] =	stream.linear.gather [hbm4b:s31+s13], $0x4000, $0x38;
	[tilespmem:$0x8000] =	vst v63  }
0x12: {  	_ =	swait.ge [sflag:s8], $0x4000  }
0x13: {  	[sflag:s8] =	ssyncset.done $0x0  }
0x14: {  	s14 =	simm.s32 $0x0;
	[sflag:s8] =	ssyncadd.s32 $0xFFFFC000  }
.LBB2_3:
0x15: {  	s15 =	sshll.u32 s14, $0xA;
	s16 =	sshll.u32 s14, $0x7  }
0x16: {  	s15 =	sand.u32 $0x2000, s15;
	s16 =	sand.u32 $0x380, s16  }
0x17: {  	s31 =	sand.u32 $0x1C00, s13;
	s15 =	sor.u32 s15, s16  }
0x18: {  	s17 =	sand.u32 $0x70, s13;
	s16 =	sor.u32 s31, s15  }
0x19: {  	s16 =	sor.u32 s17, s16  }
0x1a: {  	v0 =	vld [tilespmem:s16+$0x0]  }
0x1b: {  	v1 =	vld [tilespmem:s16+$0x4000];
	_ =	sdelay $0x2  }
0x1c: {  	s17 =	simm.s32 $0x80  }
0x1d: {  	s18 =	simm.s32 $0x10;
	s20 =	sand.u32 $0x1C00, s17  }
0x1e: {  	s19 =	sand.u32 $0x70, s18;
	s18 =	simm.s32 $0x20;
	s20 =	sor.u32 s20, s15;
	v0 =	vadd.f32 v0, v1  }
.LBB2_4:
0x1f: {  	p0 =	sne.s32 s18, $0x3F0;
	s19 =	sor.u32 s19, s20  }
0x20: {  	v1 =	vld [tilespmem:s19+$0x0];
	[tilespmem:s16+$0x4000] =	vst v0;
	s16 =	smov.u32 s19  }
0x21: {  	v0 =	vld [tilespmem:s16+$0x4000]  }
.Ltmp0:
0x22: {  	(pc) =	sbr.rel @p0 .LBB2_4-.Ltmp0, $4  }
0x23: {  	_ = 	snop  }
0x24: {  	s17 =	sadd.s32 $0x80, s17  }
0x25: {  	s20 =	sand.u32 $0x1C00, s17  }
0x26: {  	s19 =	sand.u32 $0x70, s18;
	s18 =	sadd.s32 $0x10, s18;
	s20 =	sor.u32 s20, s15;
	v0 =	vadd.f32 v1, v0  }
0x27: {  	s15 =	sor.u32 s19, s20  }
0x28: {  	v1 =	vld [tilespmem:s15+$0x0];
	[tilespmem:s16+$0x4000] =	vst v0  }
0x29: {  	v0 =	vld [tilespmem:s15+$0x4000]  }
0x2a: {  	s14 =	sadd.s32 $0x1, s14  }
0x2b: {  	p0 =	sne.s32 s14, $0x10  }
.Ltmp1:
0x2c: {  	_ = 	snop;
	(pc) =	sbr.rel @p0 .LBB2_3-.Ltmp1, $3  }
0x2d: {  	_ = 	snop  }
0x2e: {  	v0 =	vadd.f32 v1, v0;
	_ =	sdelay $0x1  }
0x2f: {  	[tilespmem:s15+$0x4000] =	vst v0  }
0x30: {  	s14 =	sadd.s32 s3, s12;
	s13 =	simm.s32 $0x0  }
0x31: {  	[hbm4b:s14+s13] =	stream.linear.scatter [tilespmem:s9], [sflag:$0x1], $0x4000, $0x38;
	[tilespmem:$0x8000] =	vst v63  }
0x32: {  	_ =	swait.ge [sflag:s8], $0x4000  }
0x33: {  	s14 =	sor.u32 $0x100000, s12;
	[sflag:s8] =	ssyncset.done $0x0  }
0x34: {  	s15 =	sadd.s32 s1, s14;
	[sflag:s8] =	ssyncadd.s32 $0xFFFFC000  }
0x35: {  	[tilespmem:s9], [sflag:$0x1] =	stream.linear.gather [hbm4b:s15+s13], $0x4000, $0x38;
	[tilespmem:$0x8000] =	vst v63  }
0x36: {  	_ =	swait.ge [sflag:s8], $0x4000  }
0x37: {  	[sflag:s8] =	ssyncset.done $0x0  }
0x38: {  	s15 =	simm.s32 $0x0;
	[sflag:s8] =	ssyncadd.s32 $0xFFFFC000  }
.LBB2_7:
0x39: {  	s16 =	sshll.u32 s15, $0xA;
	s17 =	sshll.u32 s15, $0x7  }
0x3a: {  	s16 =	sand.u32 $0x2000, s16;
	s17 =	sand.u32 $0x380, s17  }
0x3b: {  	s31 =	sand.u32 $0x1C00, s13;
	s16 =	sor.u32 s16, s17  }
0x3c: {  	s18 =	sand.u32 $0x70, s13;
	s17 =	sor.u32 s31, s16  }
0x3d: {  	s17 =	sor.u32 s18, s17  }
0x3e: {  	v0 =	vld [tilespmem:s17+$0x0]  }
0x3f: {  	v1 =	vld [tilespmem:s17+$0x4000];
	_ =	sdelay $0x2  }
0x40: {  	s18 =	simm.s32 $0x80  }
0x41: {  	s19 =	simm.s32 $0x10;
	s21 =	sand.u32 $0x1C00, s18  }
0x42: {  	s20 =	sand.u32 $0x70, s19;
	s19 =	simm.s32 $0x20;
	s21 =	sor.u32 s21, s16;
	v0 =	vadd.f32 v0, v1  }
.LBB2_8:
0x43: {  	p0 =	sne.s32 s19, $0x3F0;
	s20 =	sor.u32 s20, s21  }
0x44: {  	v1 =	vld [tilespmem:s20+$0x0];
	[tilespmem:s17+$0x4000] =	vst v0;
	s17 =	smov.u32 s20  }
0x45: {  	v0 =	vld [tilespmem:s17+$0x4000]  }
.Ltmp2:
0x46: {  	(pc) =	sbr.rel @p0 .LBB2_8-.Ltmp2, $4  }
0x47: {  	_ = 	snop  }
0x48: {  	s18 =	sadd.s32 $0x80, s18  }
0x49: {  	s21 =	sand.u32 $0x1C00, s18  }
0x4a: {  	s20 =	sand.u32 $0x70, s19;
	s19 =	sadd.s32 $0x10, s19;
	s21 =	sor.u32 s21, s16;
	v0 =	vadd.f32 v1, v0  }
0x4b: {  	s16 =	sor.u32 s20, s21  }
0x4c: {  	v1 =	vld [tilespmem:s16+$0x0];
	[tilespmem:s17+$0x4000] =	vst v0  }
0x4d: {  	v0 =	vld [tilespmem:s16+$0x4000]  }
0x4e: {  	s15 =	sadd.s32 $0x1, s15  }
0x4f: {  	p0 =	sne.s32 s15, $0x10  }
.Ltmp3:
0x50: {  	_ = 	snop;
	(pc) =	sbr.rel @p0 .LBB2_7-.Ltmp3, $3  }
0x51: {  	_ = 	snop  }
0x52: {  	v0 =	vadd.f32 v1, v0;
	_ =	sdelay $0x1  }
0x53: {  	[tilespmem:s16+$0x4000] =	vst v0  }
0x54: {  	s14 =	sadd.s32 s3, s14;
	s13 =	simm.s32 $0x0  }
0x55: {  	[hbm4b:s14+s13] =	stream.linear.scatter [tilespmem:s9], [sflag:$0x1], $0x4000, $0x38;
	[tilespmem:$0x8000] =	vst v63  }
0x56: {  	_ =	swait.ge [sflag:s8], $0x4000  }
0x57: {  	s14 =	sor.u32 $0x200000, s12;
	[sflag:s8] =	ssyncset.done $0x0  }
0x58: {  	s15 =	sadd.s32 s1, s14;
	[sflag:s8] =	ssyncadd.s32 $0xFFFFC000  }
0x59: {  	[tilespmem:s9], [sflag:$0x1] =	stream.linear.gather [hbm4b:s15+s13], $0x4000, $0x38;
	[tilespmem:$0x8000] =	vst v63  }
0x5a: {  	_ =	swait.ge [sflag:s8], $0x4000  }
0x5b: {  	[sflag:s8] =	ssyncset.done $0x0  }
0x5c: {  	s15 =	simm.s32 $0x0;
	[sflag:s8] =	ssyncadd.s32 $0xFFFFC000  }
.LBB2_11:
0x5d: {  	s16 =	sshll.u32 s15, $0xA;
	s17 =	sshll.u32 s15, $0x7  }
0x5e: {  	s16 =	sand.u32 $0x2000, s16;
	s17 =	sand.u32 $0x380, s17  }
0x5f: {  	s31 =	sand.u32 $0x1C00, s13;
	s16 =	sor.u32 s16, s17  }
0x60: {  	s18 =	sand.u32 $0x70, s13;
	s17 =	sor.u32 s31, s16  }
0x61: {  	s17 =	sor.u32 s18, s17  }
0x62: {  	v0 =	vld [tilespmem:s17+$0x0]  }
0x63: {  	v1 =	vld [tilespmem:s17+$0x4000];
	_ =	sdelay $0x2  }
0x64: {  	s18 =	simm.s32 $0x80  }
0x65: {  	s19 =	simm.s32 $0x10;
	s21 =	sand.u32 $0x1C00, s18  }
0x66: {  	s20 =	sand.u32 $0x70, s19;
	s19 =	simm.s32 $0x20;
	s21 =	sor.u32 s21, s16;
	v0 =	vadd.f32 v0, v1  }
.LBB2_12:
0x67: {  	p0 =	sne.s32 s19, $0x3F0;
	s20 =	sor.u32 s20, s21  }
0x68: {  	v1 =	vld [tilespmem:s20+$0x0];
	[tilespmem:s17+$0x4000] =	vst v0;
	s17 =	smov.u32 s20  }
0x69: {  	v0 =	vld [tilespmem:s17+$0x4000]  }
.Ltmp4:
0x6a: {  	(pc) =	sbr.rel @p0 .LBB2_12-.Ltmp4, $4  }
0x6b: {  	_ = 	snop  }
0x6c: {  	s18 =	sadd.s32 $0x80, s18  }
0x6d: {  	s21 =	sand.u32 $0x1C00, s18  }
0x6e: {  	s20 =	sand.u32 $0x70, s19;
	s19 =	sadd.s32 $0x10, s19;
	s21 =	sor.u32 s21, s16;
	v0 =	vadd.f32 v1, v0  }
0x6f: {  	s16 =	sor.u32 s20, s21  }
0x70: {  	v1 =	vld [tilespmem:s16+$0x0];
	[tilespmem:s17+$0x4000] =	vst v0  }
0x71: {  	v0 =	vld [tilespmem:s16+$0x4000]  }
0x72: {  	s15 =	sadd.s32 $0x1, s15  }
0x73: {  	p0 =	sne.s32 s15, $0x10  }
.Ltmp5:
0x74: {  	_ = 	snop;
	(pc) =	sbr.rel @p0 .LBB2_11-.Ltmp5, $3  }
0x75: {  	_ = 	snop  }
0x76: {  	v0 =	vadd.f32 v1, v0;
	_ =	sdelay $0x1  }
0x77: {  	[tilespmem:s16+$0x4000] =	vst v0  }
0x78: {  	s14 =	sadd.s32 s3, s14;
	s13 =	simm.s32 $0x0  }
0x79: {  	[hbm4b:s14+s13] =	stream.linear.scatter [tilespmem:s9], [sflag:$0x1], $0x4000, $0x38;
	[tilespmem:$0x8000] =	vst v63  }
0x7a: {  	_ =	swait.ge [sflag:s8], $0x4000  }
0x7b: {  	s12 =	sor.u32 $0x300000, s12;
	[sflag:s8] =	ssyncset.done $0x0  }
0x7c: {  	s31 =	sadd.s32 s1, s12;
	[sflag:s8] =	ssyncadd.s32 $0xFFFFC000  }
0x7d: {  	[tilespmem:s9], [sflag:$0x1] =	stream.linear.gather [hbm4b:s31+s13], $0x4000, $0x38;
	[tilespmem:$0x8000] =	vst v63  }
0x7e: {  	_ =	swait.ge [sflag:s8], $0x4000  }
0x7f: {  	[sflag:s8] =	ssyncset.done $0x0  }
0x80: {  	s14 =	simm.s32 $0x0;
	[sflag:s8] =	ssyncadd.s32 $0xFFFFC000  }
.LBB2_15:
0x81: {  	s15 =	sshll.u32 s14, $0xA;
	s16 =	sshll.u32 s14, $0x7  }
0x82: {  	s15 =	sand.u32 $0x2000, s15;
	s16 =	sand.u32 $0x380, s16  }
0x83: {  	s31 =	sand.u32 $0x1C00, s13;
	s15 =	sor.u32 s15, s16  }
0x84: {  	s17 =	sand.u32 $0x70, s13;
	s16 =	sor.u32 s31, s15  }
0x85: {  	s16 =	sor.u32 s17, s16  }
0x86: {  	v0 =	vld [tilespmem:s16+$0x0]  }
0x87: {  	v1 =	vld [tilespmem:s16+$0x4000];
	_ =	sdelay $0x2  }
0x88: {  	s17 =	simm.s32 $0x80  }
0x89: {  	s18 =	simm.s32 $0x10;
	s20 =	sand.u32 $0x1C00, s17  }
0x8a: {  	s19 =	sand.u32 $0x70, s18;
	s18 =	simm.s32 $0x20;
	s20 =	sor.u32 s20, s15;
	v0 =	vadd.f32 v0, v1  }
.LBB2_16:
0x8b: {  	p0 =	sne.s32 s18, $0x3F0;
	s19 =	sor.u32 s19, s20  }
0x8c: {  	v1 =	vld [tilespmem:s19+$0x0];
	[tilespmem:s16+$0x4000] =	vst v0;
	s16 =	smov.u32 s19  }
0x8d: {  	v0 =	vld [tilespmem:s16+$0x4000]  }
.Ltmp6:
0x8e: {  	(pc) =	sbr.rel @p0 .LBB2_16-.Ltmp6, $4  }
0x8f: {  	_ = 	snop  }
0x90: {  	s17 =	sadd.s32 $0x80, s17  }
0x91: {  	s20 =	sand.u32 $0x1C00, s17  }
0x92: {  	s19 =	sand.u32 $0x70, s18;
	s18 =	sadd.s32 $0x10, s18;
	s20 =	sor.u32 s20, s15;
	v0 =	vadd.f32 v1, v0  }
0x93: {  	s15 =	sor.u32 s19, s20  }
0x94: {  	v1 =	vld [tilespmem:s15+$0x0];
	[tilespmem:s16+$0x4000] =	vst v0  }
0x95: {  	v0 =	vld [tilespmem:s15+$0x4000]  }
0x96: {  	s14 =	sadd.s32 $0x1, s14  }
0x97: {  	p0 =	sne.s32 s14, $0x10  }
.Ltmp7:
0x98: {  	_ = 	snop;
	(pc) =	sbr.rel @p0 .LBB2_15-.Ltmp7, $3  }
0x99: {  	_ = 	snop  }
0x9a: {  	v0 =	vadd.f32 v1, v0;
	_ =	sdelay $0x1  }
0x9b: {  	[tilespmem:s15+$0x4000] =	vst v0  }
0x9c: {  	s11 =	sadd.s32 $0x1, s11  }
0x9d: {  	p0 =	sne.s32 s11, $0x10  }
.Ltmp8:
0x9e: {  	s12 =	sadd.s32 s3, s12;
	(pc) =	sbr.rel @p0 .LBB2_2-.Ltmp8, $4  }
0x9f: {  	[hbm4b:s12+s5] =	stream.linear.scatter [tilespmem:s9], [sflag:$0x1], $0x4000, $0x38;
	[tilespmem:$0x8000] =	vst v63  }
0xa0: {  	_ =	swait.ge [sflag:s8], $0x4000  }
0xa1: {  	[sflag:s8] =	ssyncset.done $0x0  }
0xa2: {  	[sflag:s8] =	ssyncadd.s32 $0xFFFFC000  }
0xa3: {  	s10 =	sadd.s32 $0x1, s10  }
0xa4: {  	p0 =	sne.s32 s10, s7  }
.Ltmp9:
0xa5: {  	_ = 	snop;
	(pc) =	sbr.rel @p0 .LBB2_1-.Ltmp9, $1  }
0xa6: {  	_ =	sdelay $0x3  }
0xa7: {  	_ =	sfence.sel $0x180000  }
0xa8: {  	[bflag:$0x0] =	sbarrier.arrive $0xFFFF  }
0xa9: {  	p0 =	sne.s32 s4, $0x0;
	_ =	strace $0x90000047  }
0xaa: {  	s0 =	sadd.s32 @!p0 $0x100000, s0;
	[bflag:$0x2] =	sbarrier.arrive $0xFFFF  }
0xab: {  	[sflag:s0] =	ssyncadd.tile.s32 @!p0 $0x1;
	_ =	shalt  }
.Lfunc_end2:
_tile_overlayer_lowered:
.L_overlay_start_2:
0xac: {  	(tag) =	ssettag $0x2  }
0xad: {  	s0 =	rddreg [dreg:$0x0];
	s2 =	stileid.u32  }
0xae: {  	s1 =	rddreg [dreg:$0x1];
	p0 =	sne.s32 s2, $0x0  }
0xaf: {  	s3 =	rddreg [dreg:$0x2];
	[bflag:$0x3] =	sbarrier.arrive $0xFFFF;
	s2 =	simm.s32 @!p0 $0x1C01  }
0xb0: {  	[timem:s3], [sflag:s2] =	dma.local @!p0 [hbm:s0], s1  }
0xb1: {  	s0 =	simm.s32 @!p0 $0x1  }
0xb2: {  	_ =	swait.ge @!p0 [sflag:s0], s1  }
0xb3: {  	s1 =	ssub.s32 @!p0 $0x0, s1;
	[sflag:s0] =	ssyncset.done @!p0 $0x0  }
0xb4: {  	[sflag:s0] =	ssyncadd.s32 @!p0 s1  }
0xb5: {  	[bflag:$0x3] =	sbarrier.arrive $0xFFFF  }
0xb6: {  	_ =	shalt  }

</sc_bundles>
